<compile_context>
chip_gen: v7x
topology: tpu7x:2x2x1
jax: 0.10.2.dev20260603
libtpu: 0.0.44.dev20260713+nightly
codegen_flags: <defaults>
</compile_context>

<pallas_src>
import functools

import jax
import jax.numpy as jnp
from jax import lax
from jax.experimental import pallas as pl
from jax.experimental.pallas import tpu as pltpu
from jax.experimental.pallas import tpu_sc as plsc

_LANES = 16


def _gram_body(n, lt_ref, bt_ref, out_ref, acc_ref):
    lab = bt_ref[...]
    lgt = lt_ref[...]
    ann = (lab == 0.0) | (lab == 1.0)
    y = jnp.where(ann, 2.0 * lab - 1.0, 2.0 * jax.nn.sigmoid(lgt) - 1.0)
    g = lax.dot_general(y, y, (((1,), (1,)), ((), ())),
                        preferred_element_type=jnp.float32)

    @pl.when(pl.program_id(0) == 0)
    def _():
        acc_ref[...] = jnp.zeros_like(acc_ref)

    acc_ref[...] += g

    @pl.when(pl.program_id(0) == pl.num_programs(0) - 1)
    def _():
        gf = acc_ref[...]
        per_row = 128 // n
        for q in range(n * n // 128):
            for m in range(per_row):
                out_ref[q:q + 1, pl.ds(n * m, n)] = gf[per_row * q + m:
                                                       per_row * q + m + 1, :]


@functools.lru_cache(maxsize=None)
def _make_gram(batch, n, block):
    grid = batch // block
    return pl.pallas_call(
        functools.partial(_gram_body, n),
        grid=(grid,),
        in_specs=[
            pl.BlockSpec((n, block), lambda i: (0, i)),
            pl.BlockSpec((n, block), lambda i: (0, i)),
        ],
        out_specs=pl.BlockSpec((n * n // 128, 128), lambda i: (0, 0)),
        out_shape=jax.ShapeDtypeStruct((n * n // 128, 128), jnp.float32),
        scratch_shapes=[pltpu.VMEM((n, n), jnp.float32)],
    )


@functools.lru_cache(maxsize=None)
def _make_edge_reduce(n, e, scale):
    e_pad = ((e + _LANES - 1) // _LANES) * _LANES
    chunks = e_pad // _LANES
    mesh = plsc.VectorSubcoreMesh(core_axis_name="c", subcore_axis_name="s",
                                  num_cores=1)

    @functools.partial(
        pl.kernel,
        mesh=mesh,
        out_type=jax.ShapeDtypeStruct((_LANES,), jnp.float32),
        compiler_params=pltpu.CompilerParams(needs_layout_passes=False),
        scratch_types=[
            pltpu.VMEM((n * n,), jnp.float32),
            pltpu.VMEM((e_pad,), jnp.int32),
            pltpu.VMEM((e_pad,), jnp.int32),
            pltpu.VMEM((e_pad,), jnp.float32),
            pltpu.VMEM((_LANES,), jnp.float32),
            pltpu.SemaphoreType.DMA,
            pltpu.SemaphoreType.DMA,
            pltpu.SemaphoreType.DMA,
            pltpu.SemaphoreType.DMA,
        ],
    )
    def k(g_hbm, l_hbm, r_hbm, w_hbm, out_hbm, g_v, l_v, r_v, w_v, o_v,
          sem0, sem1, sem2, sem3):
        wid = lax.axis_index("s")

        @pl.when(wid == 0)
        def _():
            tail = pl.ds(e_pad - _LANES, _LANES)
            l_v[tail] = jnp.zeros((_LANES,), jnp.int32)
            r_v[tail] = jnp.zeros((_LANES,), jnp.int32)
            w_v[tail] = jnp.zeros((_LANES,), jnp.float32)
            cp0 = pltpu.async_copy(g_hbm, g_v, sem0)
            cp1 = pltpu.async_copy(l_hbm, l_v.at[pl.ds(0, e)], sem1)
            cp2 = pltpu.async_copy(r_hbm, r_v.at[pl.ds(0, e)], sem2)
            cp3 = pltpu.async_copy(w_hbm, w_v.at[pl.ds(0, e)], sem3)
            cp0.wait()
            cp1.wait()
            cp2.wait()
            cp3.wait()

            def step(c, acc):
                sl = pl.ds(c * _LANES, _LANES)
                li = l_v[sl]
                ri = r_v[sl]
                we = w_v[sl]
                gll = plsc.load_gather(g_v, [li * (n + 1)])
                grr = plsc.load_gather(g_v, [ri * (n + 1)])
                glr = plsc.load_gather(g_v, [li * n + ri])
                return acc + we * (gll + grr - 2.0 * glr)

            acc = lax.fori_loop(0, chunks, step, jnp.zeros((_LANES,),
                                                           jnp.float32))
            total = jnp.sum(acc) * scale
            o_v[...] = jnp.full((_LANES,), total, jnp.float32)
            pltpu.sync_copy(o_v, out_hbm)

    return k


def kernel(logits, labels, edge_weights, left_labels, right_labels):
    batch, n = logits.shape
    e = left_labels.shape[0]
    lt = pltpu.with_memory_space_constraint(logits.T, pltpu.MemorySpace.HBM)
    bt = pltpu.with_memory_space_constraint(labels.T, pltpu.MemorySpace.HBM)
    g = _make_gram(batch, n, 8192)(lt, bt)
    scale = 0.1 / (batch * e)
    out = _make_edge_reduce(n, e, scale)(g.reshape(n * n), left_labels,
                                         right_labels, edge_weights)
    return out[0]

# --- scband reference (transcript-rebuilt; emitter-appended) ---
"""Pipeline reference for scband-label-dependency-smoothing-48034914238716 (READ-ONLY COPY).

The authoritative reference and input builder live on the scoring server;
editing this copy changes nothing except your own understanding.
"""

import jax, jax.numpy as jnp
import numpy as np

NUM_LABELS = 32
K_ALPHA = 10
LAMBDA_SMOOTH = 0.1
BATCH = 16384


def _build_adjacency_matrix(label_graph, k_alpha):
    num_labels = label_graph.shape[0]
    adj = np.zeros((num_labels, num_labels))
    for i in range(num_labels):
        all_indices = np.arange(len(label_graph[i]))
        other_indices = all_indices[all_indices != i]
        neighbors = other_indices[np.argsort(label_graph[i][other_indices])[-k_alpha:]]
        for j in neighbors:
            adj[i, j] = 1.0
            adj[j, i] = 1.0
    return adj


def setup_inputs(seed: int = 0):
    key = jax.random.key(seed)
    k1, k2 = jax.random.split(key)
    logits = jax.random.normal(k1, (BATCH, NUM_LABELS), dtype=jnp.float32)
    labels = jax.random.randint(k2, (BATCH, NUM_LABELS), 0, 2).astype(jnp.float32)
    # label_graph identical to the torch init kwarg: each row is arange(NUM_LABELS)
    label_graph = np.tile(np.arange(NUM_LABELS, dtype=np.float64), (NUM_LABELS, 1))
    adj = _build_adjacency_matrix(label_graph, K_ALPHA)
    rows, cols = np.nonzero(adj)  # row-major order, matching torch .nonzero()
    left_labels = jnp.asarray(rows, dtype=jnp.int32)
    right_labels = jnp.asarray(cols, dtype=jnp.int32)
    edge_weights = jnp.ones((rows.shape[0],), dtype=jnp.float32)
    return {
        "logits": logits,
        "labels": labels,
        "edge_weights": edge_weights,
        "left_labels": left_labels,
        "right_labels": right_labels,
    }


def reference(logits, labels, edge_weights, left_labels, right_labels):
    y_prob = jax.nn.sigmoid(logits)
    y_label_transformed = 2.0 * labels - 1.0
    has_annotation = (labels == 0) | (labels == 1)
    y_converted = jnp.where(has_annotation, y_label_transformed, 2.0 * y_prob - 1.0)
    y_left = jnp.take(y_converted, left_labels, axis=1)
    y_right = jnp.take(y_converted, right_labels, axis=1)
    diff = y_left - y_right
    edge_loss = edge_weights[None, :] * diff ** 2
    total_loss = jnp.mean(edge_loss)
    return LAMBDA_SMOOTH * total_loss

if __name__ == "__main__":
    import jax
    _d = setup_inputs()
    print(jax.jit(kernel)(*tuple(_d.values())))

</pallas_src>

<mosaic_0001>
#map = affine_map<(d0, d1) -> (0)>
module attributes {stable_mosaic.version = 14 : i64} {
  func.func @k(%arg0: i32, %arg1: i32, %arg2: memref<1024xf32, #tpu.memory_space<hbm>>, %arg3: memref<530xi32, #tpu.memory_space<hbm>>, %arg4: memref<530xi32, #tpu.memory_space<hbm>>, %arg5: memref<530xf32, #tpu.memory_space<hbm>>, %arg6: memref<16xf32, #tpu.memory_space<hbm>>, %arg7: memref<1024xf32, #tpu.memory_space<vmem>>, %arg8: memref<544xi32, #tpu.memory_space<vmem>>, %arg9: memref<544xi32, #tpu.memory_space<vmem>>, %arg10: memref<544xf32, #tpu.memory_space<vmem>>, %arg11: memref<16xf32, #tpu.memory_space<vmem>>, %arg12: memref<!tpu.dma_semaphore, #tpu.memory_space<semaphore_mem>>, %arg13: memref<!tpu.dma_semaphore, #tpu.memory_space<semaphore_mem>>, %arg14: memref<!tpu.dma_semaphore, #tpu.memory_space<semaphore_mem>>, %arg15: memref<!tpu.dma_semaphore, #tpu.memory_space<semaphore_mem>>) attributes {dimension_semantics = [#tpu.dimension_semantics<core_parallel>, #tpu.dimension_semantics<subcore_parallel>], iteration_bounds = array<i64: 1, 16>, scalar_prefetch = 0 : i64, scratch_operands = 9 : i64, tpu.core_type = #tpu.core_type<sc_vector_subcore>, window_params = [{transform_indices = #map}, {transform_indices = #map}, {transform_indices = #map}, {transform_indices = #map}, {transform_indices = #map}]} {
    %eq3A = arith.constant 0 : i32
    %eq3A_0 = arith.cmpi eq, %arg1, %eq3A : i32
    %convert_element_type3A = arith.extui %eq3A_0 : i1 to i32
    %cond3A = arith.constant 0 : i32
    %cond3A_1 = arith.cmpi ne, %convert_element_type3A, %cond3A : i32
    scf.if %cond3A_1 {
      %broadcast_in_dim3A = arith.constant 0 : i32
      %broadcast_in_dim3A_2 = vector.broadcast %broadcast_in_dim3A : i32 to vector<16xi32>
      %swap3A = arith.constant 528 : index
      %swap3A_3 = tpu.vector_load %arg8[%swap3A] {strides = array<i32>} : memref<544xi32, #tpu.memory_space<vmem>>, vector<16xi32>,
      tpu.vector_store %arg8[%swap3A], %broadcast_in_dim3A_2 {strides = array<i32>} : memref<544xi32, #tpu.memory_space<vmem>>, vector<16xi32>,
      %broadcast_in_dim3A_4 = arith.constant 0 : i32
      %broadcast_in_dim3A_5 = vector.broadcast %broadcast_in_dim3A_4 : i32 to vector<16xi32>
      %swap3A_6 = arith.constant 528 : index
      %swap3A_7 = tpu.vector_load %arg9[%swap3A_6] {strides = array<i32>} : memref<544xi32, #tpu.memory_space<vmem>>, vector<16xi32>,
      tpu.vector_store %arg9[%swap3A_6], %broadcast_in_dim3A_5 {strides = array<i32>} : memref<544xi32, #tpu.memory_space<vmem>>, vector<16xi32>,
      %broadcast_in_dim3A_8 = arith.constant 0.000000e+00 : f32
      %broadcast_in_dim3A_9 = vector.broadcast %broadcast_in_dim3A_8 : f32 to vector<16xf32>
      %swap3A_10 = arith.constant 528 : index
      %swap3A_11 = tpu.vector_load %arg10[%swap3A_10] {strides = array<i32>} : memref<544xf32, #tpu.memory_space<vmem>>, vector<16xf32>,
      tpu.vector_store %arg10[%swap3A_10], %broadcast_in_dim3A_9 {strides = array<i32>} : memref<544xf32, #tpu.memory_space<vmem>>, vector<16xf32>,
      tpu.enqueue_dma source(%arg2 : memref<1024xf32, #tpu.memory_space<hbm>>) target(%arg7 : memref<1024xf32, #tpu.memory_space<vmem>>) target_semaphore(%arg12 : memref<!tpu.dma_semaphore, #tpu.memory_space<semaphore_mem>>)
      %dma_start3A = arith.constant 0 : i32
      %dma_start3A_12 = tpu.memref_slice %arg8[%dma_start3A] : memref<544xi32, #tpu.memory_space<vmem>> -> memref<530xi32, #tpu.memory_space<vmem>>
      %dma_start3A_13 = arith.constant 0 : i32
      %dma_start3A_14 = tpu.memref_slice %arg8[%dma_start3A_13] : memref<544xi32, #tpu.memory_space<vmem>> -> memref<530xi32, #tpu.memory_space<vmem>>
      tpu.enqueue_dma source(%arg3 : memref<530xi32, #tpu.memory_space<hbm>>) target(%dma_start3A_14 : memref<530xi32, #tpu.memory_space<vmem>>) target_semaphore(%arg13 : memref<!tpu.dma_semaphore, #tpu.memory_space<semaphore_mem>>)
      %dma_start3A_15 = arith.constant 0 : i32
      %dma_start3A_16 = tpu.memref_slice %arg9[%dma_start3A_15] : memref<544xi32, #tpu.memory_space<vmem>> -> memref<530xi32, #tpu.memory_space<vmem>>
      %dma_start3A_17 = arith.constant 0 : i32
      %dma_start3A_18 = tpu.memref_slice %arg9[%dma_start3A_17] : memref<544xi32, #tpu.memory_space<vmem>> -> memref<530xi32, #tpu.memory_space<vmem>>
      tpu.enqueue_dma source(%arg4 : memref<530xi32, #tpu.memory_space<hbm>>) target(%dma_start3A_18 : memref<530xi32, #tpu.memory_space<vmem>>) target_semaphore(%arg14 : memref<!tpu.dma_semaphore, #tpu.memory_space<semaphore_mem>>)
      %dma_start3A_19 = arith.constant 0 : i32
      %dma_start3A_20 = tpu.memref_slice %arg10[%dma_start3A_19] : memref<544xf32, #tpu.memory_space<vmem>> -> memref<530xf32, #tpu.memory_space<vmem>>
      %dma_start3A_21 = arith.constant 0 : i32
      %dma_start3A_22 = tpu.memref_slice %arg10[%dma_start3A_21] : memref<544xf32, #tpu.memory_space<vmem>> -> memref<530xf32, #tpu.memory_space<vmem>>
      tpu.enqueue_dma source(%arg5 : memref<530xf32, #tpu.memory_space<hbm>>) target(%dma_start3A_22 : memref<530xf32, #tpu.memory_space<vmem>>) target_semaphore(%arg15 : memref<!tpu.dma_semaphore, #tpu.memory_space<semaphore_mem>>)
      tpu.wait_dma2 semaphore(%arg12 : memref<!tpu.dma_semaphore, #tpu.memory_space<semaphore_mem>>) src(%arg2 : memref<1024xf32, #tpu.memory_space<hbm>>) dst(%arg7 : memref<1024xf32, #tpu.memory_space<vmem>>)
      %dma_wait3A = arith.constant 0 : i32
      %dma_wait3A_23 = tpu.memref_slice %arg8[%dma_wait3A] : memref<544xi32, #tpu.memory_space<vmem>> -> memref<530xi32, #tpu.memory_space<vmem>>
      %dma_wait3A_24 = arith.constant 0 : i32
      %dma_wait3A_25 = tpu.memref_slice %arg8[%dma_wait3A_24] : memref<544xi32, #tpu.memory_space<vmem>> -> memref<530xi32, #tpu.memory_space<vmem>>
      tpu.wait_dma2 semaphore(%arg13 : memref<!tpu.dma_semaphore, #tpu.memory_space<semaphore_mem>>) src(%arg3 : memref<530xi32, #tpu.memory_space<hbm>>) dst(%dma_wait3A_25 : memref<530xi32, #tpu.memory_space<vmem>>)
      %dma_wait3A_26 = arith.constant 0 : i32
      %dma_wait3A_27 = tpu.memref_slice %arg9[%dma_wait3A_26] : memref<544xi32, #tpu.memory_space<vmem>> -> memref<530xi32, #tpu.memory_space<vmem>>
      %dma_wait3A_28 = arith.constant 0 : i32
      %dma_wait3A_29 = tpu.memref_slice %arg9[%dma_wait3A_28] : memref<544xi32, #tpu.memory_space<vmem>> -> memref<530xi32, #tpu.memory_space<vmem>>
      tpu.wait_dma2 semaphore(%arg14 : memref<!tpu.dma_semaphore, #tpu.memory_space<semaphore_mem>>) src(%arg4 : memref<530xi32, #tpu.memory_space<hbm>>) dst(%dma_wait3A_29 : memref<530xi32, #tpu.memory_space<vmem>>)
      %dma_wait3A_30 = arith.constant 0 : i32
      %dma_wait3A_31 = tpu.memref_slice %arg10[%dma_wait3A_30] : memref<544xf32, #tpu.memory_space<vmem>> -> memref<530xf32, #tpu.memory_space<vmem>>
      %dma_wait3A_32 = arith.constant 0 : i32
      %dma_wait3A_33 = tpu.memref_slice %arg10[%dma_wait3A_32] : memref<544xf32, #tpu.memory_space<vmem>> -> memref<530xf32, #tpu.memory_space<vmem>>
      tpu.wait_dma2 semaphore(%arg15 : memref<!tpu.dma_semaphore, #tpu.memory_space<semaphore_mem>>) src(%arg5 : memref<530xf32, #tpu.memory_space<hbm>>) dst(%dma_wait3A_33 : memref<530xf32, #tpu.memory_space<vmem>>)
      %broadcast_in_dim3A_34 = arith.constant 0.000000e+00 : f32
      %broadcast_in_dim3A_35 = vector.broadcast %broadcast_in_dim3A_34 : f32 to vector<16xf32>
      %scan3A = arith.constant 0 : i32
      %scan3A_36 = arith.constant 34 : i32
      %scan3A_37 = arith.addi %scan3A, %scan3A_36 : i32
      %scan3A_38 = arith.constant 1 : i32
      %scan3A_39 = scf.for %scan3A_48 = %scan3A to %scan3A_37 step %scan3A_38 iter_args(%scan3A_49 = %broadcast_in_dim3A_35) -> (vector<16xf32>)  : i32 {
        %mul3A_50 = arith.constant 16 : i32
        %mul3A_51 = arith.muli %scan3A_48, %mul3A_50 : i32
        %get3A = arith.index_cast %mul3A_51 : i32 to index
        %get3A_52 = tpu.vector_load %arg8[%get3A] {strides = array<i32>} : memref<544xi32, #tpu.memory_space<vmem>>, vector<16xi32>,
        %get3A_53 = arith.index_cast %mul3A_51 : i32 to index
        %get3A_54 = tpu.vector_load %arg9[%get3A_53] {strides = array<i32>} : memref<544xi32, #tpu.memory_space<vmem>>, vector<16xi32>,
        %get3A_55 = arith.index_cast %mul3A_51 : i32 to index
        %get3A_56 = tpu.vector_load %arg10[%get3A_55] {strides = array<i32>} : memref<544xf32, #tpu.memory_space<vmem>>, vector<16xf32>,
        %mul3A_57 = arith.constant 33 : i32
        %mul3A_58 = vector.broadcast %mul3A_57 : i32 to vector<16xi32>
        %mul3A_59 = arith.muli %get3A_52, %mul3A_58 : vector<16xi32>
        %gather3A = tpu.vector_load_idx %arg7[%mul3A_59] : memref<1024xf32, #tpu.memory_space<vmem>>[vector<16xi32>], vector<16xf32>,
        %mul3A_60 = arith.constant 33 : i32
        %mul3A_61 = vector.broadcast %mul3A_60 : i32 to vector<16xi32>
        %mul3A_62 = arith.muli %get3A_54, %mul3A_61 : vector<16xi32>
        %gather3A_63 = tpu.vector_load_idx %arg7[%mul3A_62] : memref<1024xf32, #tpu.memory_space<vmem>>[vector<16xi32>], vector<16xf32>,
        %mul3A_64 = arith.constant 32 : i32
        %mul3A_65 = vector.broadcast %mul3A_64 : i32 to vector<16xi32>
        %mul3A_66 = arith.muli %get3A_52, %mul3A_65 : vector<16xi32>
        %add3A = arith.addi %mul3A_66, %get3A_54 : vector<16xi32>
        %gather3A_67 = tpu.vector_load_idx %arg7[%add3A] : memref<1024xf32, #tpu.memory_space<vmem>>[vector<16xi32>], vector<16xf32>,
        %add3A_68 = arith.addf %gather3A, %gather3A_63 : vector<16xf32>
        %mul3A_69 = arith.constant 2.000000e+00 : f32
        %mul3A_70 = vector.broadcast %mul3A_69 : f32 to vector<16xf32>
        %mul3A_71 = arith.mulf %mul3A_70, %gather3A_67 : vector<16xf32>
        %sub3A = arith.subf %add3A_68, %mul3A_71 : vector<16xf32>
        %mul3A_72 = arith.mulf %get3A_56, %sub3A : vector<16xf32>
        %add3A_73 = arith.addf %scan3A_49, %mul3A_72 : vector<16xf32>
        scf.yield %add3A_73 : vector<16xf32>
      }
      %scan3A_40 = arith.constant 34 : i32
      %reduce_sum3A = arith.constant true
      %reduce_sum3A_41 = vector.broadcast %reduce_sum3A : i1 to vector<16xi1>
      %reduce_sum3A_42 = tpu.scan <sum>, %scan3A_39 masked %reduce_sum3A_41 : vector<16xf32>, vector<16xi1> -> vector<16xf32>
      %reduce_sum3A_43 = vector.extract %reduce_sum3A_42[15] : f32 from vector<16xf32>
      %mul3A = arith.constant 1.15160672E-8 : f32
      %mul3A_44 = arith.mulf %reduce_sum3A_43, %mul3A : f32
      %broadcast_in_dim3A_45 = vector.broadcast %mul3A_44 : f32 to vector<16xf32>
      %swap3A_46 = arith.constant 0 : index
      %swap3A_47 = tpu.vector_load %arg11[%swap3A_46] {strides = array<i32>} : memref<16xf32, #tpu.memory_space<vmem>>, vector<16xf32>,
      tpu.vector_store %arg11[%swap3A_46], %broadcast_in_dim3A_45 {strides = array<i32>} : memref<16xf32, #tpu.memory_space<vmem>>, vector<16xf32>,
      "tpu.region"() ({
        %run_scoped3A = tpu.sem_alloc : memref<!tpu.dma_semaphore, #tpu.memory_space<semaphore_mem>>
        tpu.enqueue_dma source(%arg11 : memref<16xf32, #tpu.memory_space<vmem>>) target(%arg6 : memref<16xf32, #tpu.memory_space<hbm>>) target_semaphore(%run_scoped3A : memref<!tpu.dma_semaphore, #tpu.memory_space<semaphore_mem>>)
        tpu.wait_dma2 semaphore(%run_scoped3A : memref<!tpu.dma_semaphore, #tpu.memory_space<semaphore_mem>>) src(%arg11 : memref<16xf32, #tpu.memory_space<vmem>>) dst(%arg6 : memref<16xf32, #tpu.memory_space<hbm>>)
        tpu.yield
      }) : () -> ()
    } else {
    }
    return
  }
}

module attributes {stable_mosaic.version = 14 : i64} {
  func.func @_gram_body(%arg0: i32, %arg1: memref<32x8192xf32, #tpu.memory_space<vmem>>, %arg2: memref<32x8192xf32, #tpu.memory_space<vmem>>, %arg3: memref<8x128xf32, #tpu.memory_space<vmem>>, %arg4: memref<32x32xf32, #tpu.memory_space<vmem>>) attributes {dimension_semantics = [#tpu.dimension_semantics<arbitrary>], iteration_bounds = array<i64: 2>, scalar_prefetch = 0 : i64, scratch_operands = 1 : i64, tpu.core_type = #tpu.core_type<tc>, window_params = [{transform_indices = @transform_0, window_bounds = array<i64: 32, 8192>}, {transform_indices = @transform_1, window_bounds = array<i64: 32, 8192>}, {pipeline_mode = #tpu.pipeline_mode<synchronous>, transform_indices = @transform_2, window_bounds = array<i64: 8, 128>}]} {
    %get3A = arith.constant 0 : index
    %get3A_0 = arith.constant 0 : index
    %get3A_1 = vector.load %arg2[%get3A, %get3A_0] : memref<32x8192xf32, #tpu.memory_space<vmem>>, vector<32x8192xf32>
    %get3A_2 = arith.constant 0 : index
    %get3A_3 = arith.constant 0 : index
    %get3A_4 = vector.load %arg1[%get3A_2, %get3A_3] : memref<32x8192xf32, #tpu.memory_space<vmem>>, vector<32x8192xf32>
    %eq3A = arith.constant 0.000000e+00 : f32
    %eq3A_5 = vector.broadcast %eq3A : f32 to vector<32x8192xf32>
    %eq3A_6 = arith.cmpf oeq, %get3A_1, %eq3A_5 : vector<32x8192xf32>
    %eq3A_7 = arith.constant 1.000000e+00 : f32
    %eq3A_8 = vector.broadcast %eq3A_7 : f32 to vector<32x8192xf32>
    %eq3A_9 = arith.cmpf oeq, %get3A_1, %eq3A_8 : vector<32x8192xf32>
    %or3A = arith.ori %eq3A_6, %eq3A_9 : vector<32x8192xi1>
    %mul3A = arith.constant 2.000000e+00 : f32
    %mul3A_10 = vector.broadcast %mul3A : f32 to vector<32x8192xf32>
    %mul3A_11 = arith.mulf %mul3A_10, %get3A_1 : vector<32x8192xf32>
    %sub3A = arith.constant 1.000000e+00 : f32
    %sub3A_12 = vector.broadcast %sub3A : f32 to vector<32x8192xf32>
    %sub3A_13 = arith.subf %mul3A_11, %sub3A_12 : vector<32x8192xf32>
    %logistic3A = arith.negf %get3A_4 : vector<32x8192xf32>
    %logistic3A_14 = math.exp %logistic3A : vector<32x8192xf32>
    %logistic3A_15 = arith.constant 1.000000e+00 : f32
    %logistic3A_16 = vector.broadcast %logistic3A_15 : f32 to vector<32x8192xf32>
    %logistic3A_17 = arith.addf %logistic3A_16, %logistic3A_14 : vector<32x8192xf32>
    %logistic3A_18 = arith.divf %logistic3A_16, %logistic3A_17 : vector<32x8192xf32>
    %mul3A_19 = arith.constant 2.000000e+00 : f32
    %mul3A_20 = vector.broadcast %mul3A_19 : f32 to vector<32x8192xf32>
    %mul3A_21 = arith.mulf %mul3A_20, %logistic3A_18 : vector<32x8192xf32>
    %sub3A_22 = arith.constant 1.000000e+00 : f32
    %sub3A_23 = vector.broadcast %sub3A_22 : f32 to vector<32x8192xf32>
    %sub3A_24 = arith.subf %mul3A_21, %sub3A_23 : vector<32x8192xf32>
    %select_n3A = arith.select %or3A, %sub3A_13, %sub3A_24 : vector<32x8192xi1>, vector<32x8192xf32>
    %dot_general3A = arith.constant dense<0.000000e+00> : vector<32x32xf32>
    %dot_general3A_25 = tpu.matmul %select_n3A, %select_n3A, %dot_general3A {dimension_numbers = #tpu.dot_dimension_numbers<[1], [1], [0], [0], [0, 0, 1, 0], [], []>, transpose_lhs_hint = false} : vector<32x8192xf32>, vector<32x8192xf32>, vector<32x32xf32> -> vector<32x32xf32>
    %eq3A_26 = arith.constant 0 : i32
    %eq3A_27 = arith.cmpi eq, %arg0, %eq3A_26 : i32
    %convert_element_type3A = arith.extui %eq3A_27 : i1 to i32
    %cond3A = arith.constant 0 : i32
    %cond3A_28 = arith.cmpi ne, %convert_element_type3A, %cond3A : i32
    scf.if %cond3A_28 {
      %broadcast_in_dim3A = arith.constant 0.000000e+00 : f32
      %broadcast_in_dim3A_39 = vector.broadcast %broadcast_in_dim3A : f32 to vector<32x32xf32>
      %swap3A_40 = arith.constant 0 : index
      %swap3A_41 = arith.constant 0 : index
      %swap3A_42 = vector.load %arg4[%swap3A_40, %swap3A_41] : memref<32x32xf32, #tpu.memory_space<vmem>>, vector<32x32xf32>
      tpu.vector_store %arg4[%swap3A_40, %swap3A_41], %broadcast_in_dim3A_39 {strides = array<i32>} : memref<32x32xf32, #tpu.memory_space<vmem>>, vector<32x32xf32>,
    } else {
    }
    %get3A_29 = arith.constant 0 : index
    %get3A_30 = arith.constant 0 : index
    %get3A_31 = vector.load %arg4[%get3A_29, %get3A_30] : memref<32x32xf32, #tpu.memory_space<vmem>>, vector<32x32xf32>
    %add3A = arith.addf %get3A_31, %dot_general3A_25 : vector<32x32xf32>
    %swap3A = arith.constant 0 : index
    %swap3A_32 = arith.constant 0 : index
    %swap3A_33 = vector.load %arg4[%swap3A, %swap3A_32] : memref<32x32xf32, #tpu.memory_space<vmem>>, vector<32x32xf32>
    tpu.vector_store %arg4[%swap3A, %swap3A_32], %add3A {strides = array<i32>} : memref<32x32xf32, #tpu.memory_space<vmem>>, vector<32x32xf32>,
    %eq3A_34 = arith.constant 1 : i32
    %eq3A_35 = arith.cmpi eq, %arg0, %eq3A_34 : i32
    %convert_element_type3A_36 = arith.extui %eq3A_35 : i1 to i32
    %cond3A_37 = arith.constant 0 : i32
    %cond3A_38 = arith.cmpi ne, %convert_element_type3A_36, %cond3A_37 : i32
    scf.if %cond3A_38 {
      %get3A_39 = arith.constant 0 : index
      %get3A_40 = arith.constant 0 : index
      %get3A_41 = vector.load %arg4[%get3A_39, %get3A_40] : memref<32x32xf32, #tpu.memory_space<vmem>>, vector<32x32xf32>
      %slice3A = vector.extract_strided_slice %get3A_41 {offsets = [0, 0], sizes = [1, 32], strides = [1, 1]} : vector<32x32xf32> to vector<1x32xf32>
      %swap3A_42 = arith.constant 0 : index
      %swap3A_43 = arith.constant 0 : index
      %swap3A_44 = vector.load %arg3[%swap3A_42, %swap3A_43] : memref<8x128xf32, #tpu.memory_space<vmem>>, vector<1x32xf32>
      tpu.vector_store %arg3[%swap3A_42, %swap3A_43], %slice3A {strides = array<i32>} : memref<8x128xf32, #tpu.memory_space<vmem>>, vector<1x32xf32>,
      %slice3A_45 = vector.extract_strided_slice %get3A_41 {offsets = [1, 0], sizes = [1, 32], strides = [1, 1]} : vector<32x32xf32> to vector<1x32xf32>
      %swap3A_46 = arith.constant 0 : index
      %swap3A_47 = arith.constant 32 : index
      %swap3A_48 = vector.load %arg3[%swap3A_46, %swap3A_47] : memref<8x128xf32, #tpu.memory_space<vmem>>, vector<1x32xf32>
      tpu.vector_store %arg3[%swap3A_46, %swap3A_47], %slice3A_45 {strides = array<i32>} : memref<8x128xf32, #tpu.memory_space<vmem>>, vector<1x32xf32>,
      %slice3A_49 = vector.extract_strided_slice %get3A_41 {offsets = [2, 0], sizes = [1, 32], strides = [1, 1]} : vector<32x32xf32> to vector<1x32xf32>
      %swap3A_50 = arith.constant 0 : index
      %swap3A_51 = arith.constant 64 : index
      %swap3A_52 = vector.load %arg3[%swap3A_50, %swap3A_51] : memref<8x128xf32, #tpu.memory_space<vmem>>, vector<1x32xf32>
      tpu.vector_store %arg3[%swap3A_50, %swap3A_51], %slice3A_49 {strides = array<i32>} : memref<8x128xf32, #tpu.memory_space<vmem>>, vector<1x32xf32>,
      %slice3A_53 = vector.extract_strided_slice %get3A_41 {offsets = [3, 0], sizes = [1, 32], strides = [1, 1]} : vector<32x32xf32> to vector<1x32xf32>
      %swap3A_54 = arith.constant 0 : index
      %swap3A_55 = arith.constant 96 : index
      %swap3A_56 = vector.load %arg3[%swap3A_54, %swap3A_55] : memref<8x128xf32, #tpu.memory_space<vmem>>, vector<1x32xf32>
      tpu.vector_store %arg3[%swap3A_54, %swap3A_55], %slice3A_53 {strides = array<i32>} : memref<8x128xf32, #tpu.memory_space<vmem>>, vector<1x32xf32>,
      %slice3A_57 = vector.extract_strided_slice %get3A_41 {offsets = [4, 0], sizes = [1, 32], strides = [1, 1]} : vector<32x32xf32> to vector<1x32xf32>
      %swap3A_58 = arith.constant 1 : index
      %swap3A_59 = arith.constant 0 : index
      %swap3A_60 = vector.load %arg3[%swap3A_58, %swap3A_59] : memref<8x128xf32, #tpu.memory_space<vmem>>, vector<1x32xf32>
      tpu.vector_store %arg3[%swap3A_58, %swap3A_59], %slice3A_57 {strides = array<i32>} : memref<8x128xf32, #tpu.memory_space<vmem>>, vector<1x32xf32>,
      %slice3A_61 = vector.extract_strided_slice %get3A_41 {offsets = [5, 0], sizes = [1, 32], strides = [1, 1]} : vector<32x32xf32> to vector<1x32xf32>
      %swap3A_62 = arith.constant 1 : index
      %swap3A_63 = arith.constant 32 : index
      %swap3A_64 = vector.load %arg3[%swap3A_62, %swap3A_63] : memref<8x128xf32, #tpu.memory_space<vmem>>, vector<1x32xf32>
      tpu.vector_store %arg3[%swap3A_62, %swap3A_63], %slice3A_61 {strides = array<i32>} : memref<8x128xf32, #tpu.memory_space<vmem>>, vector<1x32xf32>,
      %slice3A_65 = vector.extract_strided_slice %get3A_41 {offsets = [6, 0], sizes = [1, 32], strides = [1, 1]} : vector<32x32xf32> to vector<1x32xf32>
      %swap3A_66 = arith.constant 1 : index
      %swap3A_67 = arith.constant 64 : index
      %swap3A_68 = vector.load %arg3[%swap3A_66, %swap3A_67] : memref<8x128xf32, #tpu.memory_space<vmem>>, vector<1x32xf32>
      tpu.vector_store %arg3[%swap3A_66, %swap3A_67], %slice3A_65 {strides = array<i32>} : memref<8x128xf32, #tpu.memory_space<vmem>>, vector<1x32xf32>,
      %slice3A_69 = vector.extract_strided_slice %get3A_41 {offsets = [7, 0], sizes = [1, 32], strides = [1, 1]} : vector<32x32xf32> to vector<1x32xf32>
      %swap3A_70 = arith.constant 1 : index
      %swap3A_71 = arith.constant 96 : index
      %swap3A_72 = vector.load %arg3[%swap3A_70, %swap3A_71] : memref<8x128xf32, #tpu.memory_space<vmem>>, vector<1x32xf32>
      tpu.vector_store %arg3[%swap3A_70, %swap3A_71], %slice3A_69 {strides = array<i32>} : memref<8x128xf32, #tpu.memory_space<vmem>>, vector<1x32xf32>,
      %slice3A_73 = vector.extract_strided_slice %get3A_41 {offsets = [8, 0], sizes = [1, 32], strides = [1, 1]} : vector<32x32xf32> to vector<1x32xf32>
      %swap3A_74 = arith.constant 2 : index
      %swap3A_75 = arith.constant 0 : index
      %swap3A_76 = vector.load %arg3[%swap3A_74, %swap3A_75] : memref<8x128xf32, #tpu.memory_space<vmem>>, vector<1x32xf32>
      tpu.vector_store %arg3[%swap3A_74, %swap3A_75], %slice3A_73 {strides = array<i32>} : memref<8x128xf32, #tpu.memory_space<vmem>>, vector<1x32xf32>,
      %slice3A_77 = vector.extract_strided_slice %get3A_41 {offsets = [9, 0], sizes = [1, 32], strides = [1, 1]} : vector<32x32xf32> to vector<1x32xf32>
      %swap3A_78 = arith.constant 2 : index
      %swap3A_79 = arith.constant 32 : index
      %swap3A_80 = vector.load %arg3[%swap3A_78, %swap3A_79] : memref<8x128xf32, #tpu.memory_space<vmem>>, vector<1x32xf32>
      tpu.vector_store %arg3[%swap3A_78, %swap3A_79], %slice3A_77 {strides = array<i32>} : memref<8x128xf32, #tpu.memory_space<vmem>>, vector<1x32xf32>,
      %slice3A_81 = vector.extract_strided_slice %get3A_41 {offsets = [10, 0], sizes = [1, 32], strides = [1, 1]} : vector<32x32xf32> to vector<1x32xf32>
      %swap3A_82 = arith.constant 2 : index
      %swap3A_83 = arith.constant 64 : index
      %swap3A_84 = vector.load %arg3[%swap3A_82, %swap3A_83] : memref<8x128xf32, #tpu.memory_space<vmem>>, vector<1x32xf32>
      tpu.vector_store %arg3[%swap3A_82, %swap3A_83], %slice3A_81 {strides = array<i32>} : memref<8x128xf32, #tpu.memory_space<vmem>>, vector<1x32xf32>,
      %slice3A_85 = vector.extract_strided_slice %get3A_41 {offsets = [11, 0], sizes = [1, 32], strides = [1, 1]} : vector<32x32xf32> to vector<1x32xf32>
      %swap3A_86 = arith.constant 2 : index
      %swap3A_87 = arith.constant 96 : index
      %swap3A_88 = vector.load %arg3[%swap3A_86, %swap3A_87] : memref<8x128xf32, #tpu.memory_space<vmem>>, vector<1x32xf32>
      tpu.vector_store %arg3[%swap3A_86, %swap3A_87], %slice3A_85 {strides = array<i32>} : memref<8x128xf32, #tpu.memory_space<vmem>>, vector<1x32xf32>,
      %slice3A_89 = vector.extract_strided_slice %get3A_41 {offsets = [12, 0], sizes = [1, 32], strides = [1, 1]} : vector<32x32xf32> to vector<1x32xf32>
      %swap3A_90 = arith.constant 3 : index
      %swap3A_91 = arith.constant 0 : index
      %swap3A_92 = vector.load %arg3[%swap3A_90, %swap3A_91] : memref<8x128xf32, #tpu.memory_space<vmem>>, vector<1x32xf32>
      tpu.vector_store %arg3[%swap3A_90, %swap3A_91], %slice3A_89 {strides = array<i32>} : memref<8x128xf32, #tpu.memory_space<vmem>>, vector<1x32xf32>,
      %slice3A_93 = vector.extract_strided_slice %get3A_41 {offsets = [13, 0], sizes = [1, 32], strides = [1, 1]} : vector<32x32xf32> to vector<1x32xf32>
      %swap3A_94 = arith.constant 3 : index
      %swap3A_95 = arith.constant 32 : index
      %swap3A_96 = vector.load %arg3[%swap3A_94, %swap3A_95] : memref<8x128xf32, #tpu.memory_space<vmem>>, vector<1x32xf32>
      tpu.vector_store %arg3[%swap3A_94, %swap3A_95], %slice3A_93 {strides = array<i32>} : memref<8x128xf32, #tpu.memory_space<vmem>>, vector<1x32xf32>,
      %slice3A_97 = vector.extract_strided_slice %get3A_41 {offsets = [14, 0], sizes = [1, 32], strides = [1, 1]} : vector<32x32xf32> to vector<1x32xf32>
      %swap3A_98 = arith.constant 3 : index
      %swap3A_99 = arith.constant 64 : index
      %swap3A_100 = vector.load %arg3[%swap3A_98, %swap3A_99] : memref<8x128xf32, #tpu.memory_space<vmem>>, vector<1x32xf32>
      tpu.vector_store %arg3[%swap3A_98, %swap3A_99], %slice3A_97 {strides = array<i32>} : memref<8x128xf32, #tpu.memory_space<vmem>>, vector<1x32xf32>,
      %slice3A_101 = vector.extract_strided_slice %get3A_41 {offsets = [15, 0], sizes = [1, 32], strides = [1, 1]} : vector<32x32xf32> to vector<1x32xf32>
      %swap3A_102 = arith.constant 3 : index
      %swap3A_103 = arith.constant 96 : index
      %swap3A_104 = vector.load %arg3[%swap3A_102, %swap3A_103] : memref<8x128xf32, #tpu.memory_space<vmem>>, vector<1x32xf32>
      tpu.vector_store %arg3[%swap3A_102, %swap3A_103], %slice3A_101 {strides = array<i32>} : memref<8x128xf32, #tpu.memory_space<vmem>>, vector<1x32xf32>,
      %slice3A_105 = vector.extract_strided_slice %get3A_41 {offsets = [16, 0], sizes = [1, 32], strides = [1, 1]} : vector<32x32xf32> to vector<1x32xf32>
      %swap3A_106 = arith.constant 4 : index
      %swap3A_107 = arith.constant 0 : index
      %swap3A_108 = vector.load %arg3[%swap3A_106, %swap3A_107] : memref<8x128xf32, #tpu.memory_space<vmem>>, vector<1x32xf32>
      tpu.vector_store %arg3[%swap3A_106, %swap3A_107], %slice3A_105 {strides = array<i32>} : memref<8x128xf32, #tpu.memory_space<vmem>>, vector<1x32xf32>,
      %slice3A_109 = vector.extract_strided_slice %get3A_41 {offsets = [17, 0], sizes = [1, 32], strides = [1, 1]} : vector<32x32xf32> to vector<1x32xf32>
      %swap3A_110 = arith.constant 4 : index
      %swap3A_111 = arith.constant 32 : index
      %swap3A_112 = vector.load %arg3[%swap3A_110, %swap3A_111] : memref<8x128xf32, #tpu.memory_space<vmem>>, vector<1x32xf32>
      tpu.vector_store %arg3[%swap3A_110, %swap3A_111], %slice3A_109 {strides = array<i32>} : memref<8x128xf32, #tpu.memory_space<vmem>>, vector<1x32xf32>,
      %slice3A_113 = vector.extract_strided_slice %get3A_41 {offsets = [18, 0], sizes = [1, 32], strides = [1, 1]} : vector<32x32xf32> to vector<1x32xf32>
      %swap3A_114 = arith.constant 4 : index
      %swap3A_115 = arith.constant 64 : index
      %swap3A_116 = vector.load %arg3[%swap3A_114, %swap3A_115] : memref<8x128xf32, #tpu.memory_space<vmem>>, vector<1x32xf32>
      tpu.vector_store %arg3[%swap3A_114, %swap3A_115], %slice3A_113 {strides = array<i32>} : memref<8x128xf32, #tpu.memory_space<vmem>>, vector<1x32xf32>,
      %slice3A_117 = vector.extract_strided_slice %get3A_41 {offsets = [19, 0], sizes = [1, 32], strides = [1, 1]} : vector<32x32xf32> to vector<1x32xf32>
      %swap3A_118 = arith.constant 4 : index
      %swap3A_119 = arith.constant 96 : index
      %swap3A_120 = vector.load %arg3[%swap3A_118, %swap3A_119] : memref<8x128xf32, #tpu.memory_space<vmem>>, vector<1x32xf32>
      tpu.vector_store %arg3[%swap3A_118, %swap3A_119], %slice3A_117 {strides = array<i32>} : memref<8x128xf32, #tpu.memory_space<vmem>>, vector<1x32xf32>,
      %slice3A_121 = vector.extract_strided_slice %get3A_41 {offsets = [20, 0], sizes = [1, 32], strides = [1, 1]} : vector<32x32xf32> to vector<1x32xf32>
      %swap3A_122 = arith.constant 5 : index
      %swap3A_123 = arith.constant 0 : index
      %swap3A_124 = vector.load %arg3[%swap3A_122, %swap3A_123] : memref<8x128xf32, #tpu.memory_space<vmem>>, vector<1x32xf32>
      tpu.vector_store %arg3[%swap3A_122, %swap3A_123], %slice3A_121 {strides = array<i32>} : memref<8x128xf32, #tpu.memory_space<vmem>>, vector<1x32xf32>,
      %slice3A_125 = vector.extract_strided_slice %get3A_41 {offsets = [21, 0], sizes = [1, 32], strides = [1, 1]} : vector<32x32xf32> to vector<1x32xf32>
      %swap3A_126 = arith.constant 5 : index
      %swap3A_127 = arith.constant 32 : index
      %swap3A_128 = vector.load %arg3[%swap3A_126, %swap3A_127] : memref<8x128xf32, #tpu.memory_space<vmem>>, vector<1x32xf32>
      tpu.vector_store %arg3[%swap3A_126, %swap3A_127], %slice3A_125 {strides = array<i32>} : memref<8x128xf32, #tpu.memory_space<vmem>>, vector<1x32xf32>,
      %slice3A_129 = vector.extract_strided_slice %get3A_41 {offsets = [22, 0], sizes = [1, 32], strides = [1, 1]} : vector<32x32xf32> to vector<1x32xf32>
      %swap3A_130 = arith.constant 5 : index
      %swap3A_131 = arith.constant 64 : index
      %swap3A_132 = vector.load %arg3[%swap3A_130, %swap3A_131] : memref<8x128xf32, #tpu.memory_space<vmem>>, vector<1x32xf32>
      tpu.vector_store %arg3[%swap3A_130, %swap3A_131], %slice3A_129 {strides = array<i32>} : memref<8x128xf32, #tpu.memory_space<vmem>>, vector<1x32xf32>,
      %slice3A_133 = vector.extract_strided_slice %get3A_41 {offsets = [23, 0], sizes = [1, 32], strides = [1, 1]} : vector<32x32xf32> to vector<1x32xf32>
      %swap3A_134 = arith.constant 5 : index
      %swap3A_135 = arith.constant 96 : index
      %swap3A_136 = vector.load %arg3[%swap3A_134, %swap3A_135] : memref<8x128xf32, #tpu.memory_space<vmem>>, vector<1x32xf32>
      tpu.vector_store %arg3[%swap3A_134, %swap3A_135], %slice3A_133 {strides = array<i32>} : memref<8x128xf32, #tpu.memory_space<vmem>>, vector<1x32xf32>,
      %slice3A_137 = vector.extract_strided_slice %get3A_41 {offsets = [24, 0], sizes = [1, 32], strides = [1, 1]} : vector<32x32xf32> to vector<1x32xf32>
      %swap3A_138 = arith.constant 6 : index
      %swap3A_139 = arith.constant 0 : index
      %swap3A_140 = vector.load %arg3[%swap3A_138, %swap3A_139] : memref<8x128xf32, #tpu.memory_space<vmem>>, vector<1x32xf32>
      tpu.vector_store %arg3[%swap3A_138, %swap3A_139], %slice3A_137 {strides = array<i32>} : memref<8x128xf32, #tpu.memory_space<vmem>>, vector<1x32xf32>,
      %slice3A_141 = vector.extract_strided_slice %get3A_41 {offsets = [25, 0], sizes = [1, 32], strides = [1, 1]} : vector<32x32xf32> to vector<1x32xf32>
      %swap3A_142 = arith.constant 6 : index
      %swap3A_143 = arith.constant 32 : index
      %swap3A_144 = vector.load %arg3[%swap3A_142, %swap3A_143] : memref<8x128xf32, #tpu.memory_space<vmem>>, vector<1x32xf32>
      tpu.vector_store %arg3[%swap3A_142, %swap3A_143], %slice3A_141 {strides = array<i32>} : memref<8x128xf32, #tpu.memory_space<vmem>>, vector<1x32xf32>,
      %slice3A_145 = vector.extract_strided_slice %get3A_41 {offsets = [26, 0], sizes = [1, 32], strides = [1, 1]} : vector<32x32xf32> to vector<1x32xf32>
      %swap3A_146 = arith.constant 6 : index
      %swap3A_147 = arith.constant 64 : index
      %swap3A_148 = vector.load %arg3[%swap3A_146, %swap3A_147] : memref<8x128xf32, #tpu.memory_space<vmem>>, vector<1x32xf32>
      tpu.vector_store %arg3[%swap3A_146, %swap3A_147], %slice3A_145 {strides = array<i32>} : memref<8x128xf32, #tpu.memory_space<vmem>>, vector<1x32xf32>,
      %slice3A_149 = vector.extract_strided_slice %get3A_41 {offsets = [27, 0], sizes = [1, 32], strides = [1, 1]} : vector<32x32xf32> to vector<1x32xf32>
      %swap3A_150 = arith.constant 6 : index
      %swap3A_151 = arith.constant 96 : index
      %swap3A_152 = vector.load %arg3[%swap3A_150, %swap3A_151] : memref<8x128xf32, #tpu.memory_space<vmem>>, vector<1x32xf32>
      tpu.vector_store %arg3[%swap3A_150, %swap3A_151], %slice3A_149 {strides = array<i32>} : memref<8x128xf32, #tpu.memory_space<vmem>>, vector<1x32xf32>,
      %slice3A_153 = vector.extract_strided_slice %get3A_41 {offsets = [28, 0], sizes = [1, 32], strides = [1, 1]} : vector<32x32xf32> to vector<1x32xf32>
      %swap3A_154 = arith.constant 7 : index
      %swap3A_155 = arith.constant 0 : index
      %swap3A_156 = vector.load %arg3[%swap3A_154, %swap3A_155] : memref<8x128xf32, #tpu.memory_space<vmem>>, vector<1x32xf32>
      tpu.vector_store %arg3[%swap3A_154, %swap3A_155], %slice3A_153 {strides = array<i32>} : memref<8x128xf32, #tpu.memory_space<vmem>>, vector<1x32xf32>,
      %slice3A_157 = vector.extract_strided_slice %get3A_41 {offsets = [29, 0], sizes = [1, 32], strides = [1, 1]} : vector<32x32xf32> to vector<1x32xf32>
      %swap3A_158 = arith.constant 7 : index
      %swap3A_159 = arith.constant 32 : index
      %swap3A_160 = vector.load %arg3[%swap3A_158, %swap3A_159] : memref<8x128xf32, #tpu.memory_space<vmem>>, vector<1x32xf32>
      tpu.vector_store %arg3[%swap3A_158, %swap3A_159], %slice3A_157 {strides = array<i32>} : memref<8x128xf32, #tpu.memory_space<vmem>>, vector<1x32xf32>,
      %slice3A_161 = vector.extract_strided_slice %get3A_41 {offsets = [30, 0], sizes = [1, 32], strides = [1, 1]} : vector<32x32xf32> to vector<1x32xf32>
      %swap3A_162 = arith.constant 7 : index
      %swap3A_163 = arith.constant 64 : index
      %swap3A_164 = vector.load %arg3[%swap3A_162, %swap3A_163] : memref<8x128xf32, #tpu.memory_space<vmem>>, vector<1x32xf32>
      tpu.vector_store %arg3[%swap3A_162, %swap3A_163], %slice3A_161 {strides = array<i32>} : memref<8x128xf32, #tpu.memory_space<vmem>>, vector<1x32xf32>,
      %slice3A_165 = vector.extract_strided_slice %get3A_41 {offsets = [31, 0], sizes = [1, 32], strides = [1, 1]} : vector<32x32xf32> to vector<1x32xf32>
      %swap3A_166 = arith.constant 7 : index
      %swap3A_167 = arith.constant 96 : index
      %swap3A_168 = vector.load %arg3[%swap3A_166, %swap3A_167] : memref<8x128xf32, #tpu.memory_space<vmem>>, vector<1x32xf32>
      tpu.vector_store %arg3[%swap3A_166, %swap3A_167], %slice3A_165 {strides = array<i32>} : memref<8x128xf32, #tpu.memory_space<vmem>>, vector<1x32xf32>,
    } else {
    }
    return
  }
  func.func @transform_0(%arg0: i32) -> (i32, i32) {
    %c0_i32 = arith.constant 0 : i32
    %c0_i32_0 = arith.constant 0 : i32
    return %c0_i32, %arg0 : i32, i32
  }
  func.func @transform_1(%arg0: i32) -> (i32, i32) {
    %c0_i32 = arith.constant 0 : i32
    %c0_i32_0 = arith.constant 0 : i32
    return %c0_i32, %arg0 : i32, i32
  }
  func.func @transform_2(%arg0: i32) -> (i32, i32) {
    %c0_i32 = arith.constant 0 : i32
    %c0_i32_0 = arith.constant 0 : i32
    %c0_i32_1 = arith.constant 0 : i32
    return %c0_i32, %c0_i32_0 : i32, i32
  }
}

</mosaic_0001>

<sc_bundles>
// kernel: kernel.4.cloned.1.call-start
scs
__scs_entry_jumppad:
0x0: {  	(pc) =	sbr.rel $0x88, $3  }
0x1: {  	(tag) =	ssettag $0x0;
	lr =	simm.s32 $0x1  }
0x2: {  	[smem:$0x3F9C] =	sst lr;
	_ =	strace $0xD0000000  }
0x3: {  	_ = 	snop  }
0x4: {  	_ = 	snop  }
0x5: {  	_ = 	snop  }
0x6: {  	_ = 	snop  }
0x7: {  	_ = 	snop  }
__scs_overlays_trampoline_lowered:
0x8: {  	[smem:$0x3FAB] =	sst s0  }
0x9: {  	[smem:$0x3FAC] =	sst s1  }
0xa: {  	[smem:$0x3FAD] =	sst s2  }
0xb: {  	[smem:$0x3FAE] =	sst s3  }
0xc: {  	[smem:$0x3FAF] =	sst s4  }
0xd: {  	[smem:$0x3FB0] =	sst s5  }
0xe: {  	[smem:$0x3FB1] =	sst s6  }
0xf: {  	[smem:$0x3FB2] =	sst s7  }
0x10: {  	[smem:$0x3FB3] =	sst s8  }
0x11: {  	[smem:$0x3FB4] =	sst s9;
	s0 =	simm.s32 @!p0 $0x0  }
0x12: {  	s1 =	sld [smem:$0x3F9A];
	s0 =	simm.s32 @p0 $0x1  }
0x13: {  	[smem:$0x3FB5] =	sst s0;
	s0 =	simm.s32 @!p1 $0x0  }
0x14: {  	s2 =	sld [smem:$0x3F99];
	s0 =	simm.s32 @p1 $0x1  }
0x15: {  	[smem:$0x3FB6] =	sst s0;
	s0 =	simm.s32 @!p2 $0x0  }
0x16: {  	s3 =	sld [smem:$0x3FDB];
	s0 =	simm.s32 @p2 $0x1  }
0x17: {  	s4 =	simm.s32 $0x1BF5;
	[smem:$0x3FB8] =	sst s0  }
0x18: {  	s0 =	sld [smem:$0x3F9B];
	_ =	swait.ge [sflag:s4], $0x0  }
0x19: {  	s7 =	sld [smem:$0x3F9C]  }
0x1a: {  	s8 =	sadd.s32 $0xFFFFE003, lr  }
0x1b: {  	s9 =	sadd.s32 $0xFFFFFEF7, lr;
	s5 =	simm.s32 $0xFFFFFFFF;
	p2 =	slt.u32 s8, $0xFFFFF086  }
0x1c: {  	p1 =	slt.u32 s9, $0xF7A;
	s5 =	simm.s32 @!p2 $0x0  }
0x1d: {  	s5 =	simm.s32 @p1 $0x1;
	p0 =	seq.s32 s7, s2  }
0x1e: {  	s7 =	smul.u32 @!p0 $0xF7A, s2;
	p2 =	seq.s32 @!p0 s5, $0x0  }
0x1f: {  	s9 =	smul.u32 $0xF7A, s1;
	s8 =	simm.s32 @!p0 $0x1BF5;
	p2 =	por !p2, p0  }
0x20: {  	[sflag:s8] =	ssyncset.s32 @!p0 $0xFFFFF086;
	s6 =	sadd.s32 @!p0 s3, s7;
	s7 =	simm.s32 @!p0 $0x108  }
0x21: {  	s3 =	sadd.s32 s3, s9;
	s6 =	sadd.s32 @!p0 $0x88, s6;
	s7 =	simm.s32 @p2 $0x1082  }
0x22: {  	[simem:s7], [sflag:s8] =	dma.local @!p0 [hbm:s6], $0xF7A  }
0x23: {  	s9 =	sor.u32 $0xD0000000, s2;
	s6 =	simm.s32 $0x108;
	_ =	swait.ge @!p0 [sflag:s8], $0x0  }
0x24: {  	s3 =	sadd.s32 $0x88, s3;
	s6 =	simm.s32 @!p1 $0x1082;
	[sflag:s4] =	ssyncset.s32 $0xFFFFF086  }
0x25: {  	[simem:s6], [sflag:s4] =	dma.local [hbm:s3], $0xF7A  }
0x26: {  	[smem:$0x3F9C] =	sst s1;
	(tag) =	ssettag s2;
	_ =	strace s9  }
0x27: {  	s1 =	sld [smem:$0x3FAC]  }
0x28: {  	s2 =	sld [smem:$0x3FAD]  }
0x29: {  	s4 =	sld [smem:$0x3FAF]  }
0x2a: {  	p0 =	seq.s32 s5, $0x0;
	s5 =	sld [smem:$0x3FB0]  }
0x2b: {  	s6 =	sld [smem:$0x3FB1]  }
0x2c: {  	s7 =	sld [smem:$0x3FB2]  }
0x2d: {  	s3 =	simm.s32 $0x108;
	s8 =	sld [smem:$0x3FB3]  }
0x2e: {  	s3 =	simm.s32 @!p0 $0x1082;
	s9 =	sld [smem:$0x3FB4]  }
0x2f: {  	lr =	sadd.s32 s0, s3;
	s0 =	sld [smem:$0x3FAB]  }
0x30: {  	s3 =	sld [smem:$0x3FAE]  }
0x31: {  	[smem:$0x3FB7] =	sst s10  }
0x32: {  	s10 =	sld [smem:$0x3FB5];
	_ =	sdelay $0x3  }
0x33: {  	p0 =	seq.s32 s10, $0x1;
	s10 =	sld [smem:$0x3FB7];
	_ =	sdelay $0x3  }
0x34: {  	[smem:$0x3FB7] =	sst s10  }
0x35: {  	s10 =	sld [smem:$0x3FB6];
	_ =	sdelay $0x3  }
0x36: {  	p1 =	seq.s32 s10, $0x1;
	s10 =	sld [smem:$0x3FB7];
	_ =	sdelay $0x3  }
0x37: {  	[smem:$0x3FB7] =	sst s10  }
0x38: {  	s10 =	sld [smem:$0x3FB8]  }
0x39: {  	_ = 	snop;
	(pc) =	sbr.ind lr, $3  }
0x3a: {  	_ = 	snop  }
0x3b: {  	_ = 	snop  }
0x3c: {  	p2 =	seq.s32 s10, $0x1;
	s10 =	sld [smem:$0x3FB7]  }
0x3d: {  	_ =	shalt  }
0x3e: {  	_ =	shalt  }
0x3f: {  	_ =	shalt  }
0x40: {  	_ =	shalt  }
0x41: {  	_ =	shalt  }
0x42: {  	_ =	shalt  }
0x43: {  	_ =	shalt  }
0x44: {  	_ =	shalt  }
0x45: {  	_ =	shalt  }
0x46: {  	_ =	shalt  }
0x47: {  	_ =	shalt  }
0x48: {  	_ =	shalt  }
0x49: {  	_ =	shalt  }
0x4a: {  	_ =	shalt  }
0x4b: {  	_ =	shalt  }
0x4c: {  	_ =	shalt  }
0x4d: {  	_ =	shalt  }
0x4e: {  	_ =	shalt  }
0x4f: {  	_ =	shalt  }
0x50: {  	_ =	shalt  }
0x51: {  	_ =	shalt  }
0x52: {  	_ =	shalt  }
0x53: {  	_ =	shalt  }
0x54: {  	_ =	shalt  }
0x55: {  	_ =	shalt  }
0x56: {  	_ =	shalt  }
0x57: {  	_ =	shalt  }
0x58: {  	_ =	shalt  }
0x59: {  	_ =	shalt  }
0x5a: {  	_ =	shalt  }
0x5b: {  	_ =	shalt  }
0x5c: {  	_ =	shalt  }
0x5d: {  	_ =	shalt  }
0x5e: {  	_ =	shalt  }
0x5f: {  	_ =	shalt  }
0x60: {  	_ =	shalt  }
0x61: {  	_ =	shalt  }
0x62: {  	_ =	shalt  }
0x63: {  	_ =	shalt  }
0x64: {  	_ =	shalt  }
0x65: {  	_ =	shalt  }
0x66: {  	_ =	shalt  }
0x67: {  	_ =	shalt  }
0x68: {  	_ =	shalt  }
0x69: {  	_ =	shalt  }
0x6a: {  	_ =	shalt  }
0x6b: {  	_ =	shalt  }
0x6c: {  	_ =	shalt  }
0x6d: {  	_ =	shalt  }
0x6e: {  	_ =	shalt  }
0x6f: {  	_ =	shalt  }
0x70: {  	_ =	shalt  }
0x71: {  	_ =	shalt  }
0x72: {  	_ =	shalt  }
0x73: {  	_ =	shalt  }
0x74: {  	_ =	shalt  }
0x75: {  	_ =	shalt  }
0x76: {  	_ =	shalt  }
0x77: {  	_ =	shalt  }
0x78: {  	_ =	shalt  }
0x79: {  	_ =	shalt  }
0x7a: {  	_ =	shalt  }
0x7b: {  	_ =	shalt  }
0x7c: {  	_ =	shalt  }
0x7d: {  	_ =	shalt  }
0x7e: {  	_ =	shalt  }
0x7f: {  	_ =	shalt  }
0x80: {  	_ =	shalt  }
0x81: {  	_ =	shalt  }
0x82: {  	_ =	shalt  }
0x83: {  	_ =	shalt  }
0x84: {  	_ =	shalt  }
0x85: {  	_ =	shalt  }
0x86: {  	_ =	shalt  }
0x87: {  	_ =	shalt  }
.Lfunc_end0:
.L_simem_size_0:
called_computation_lowered:
.L_overlay_start_0:
0x88: {  	s0 =	sld [smem:$0x3FD9]  }
0x89: {  	s1 =	sld [smem:$0x3FFE];
	_ =	sdelay $0x3  }
0x8a: {  	s0 =	sadd.s32 s1, s0  }
0x8b: {  	[smem:$0x3FC3] =	sst s0  }
0x8c: {  	_ = 	snop  }
0x8d: {  	s0 =	sld [smem:$0x3FC7]  }
0x8e: {  	s16 =	sld [smem:$0x3FC6]  }
0x8f: {  	s2 =	sld [smem:$0x3FC5]  }
0x90: {  	s3 =	sld [smem:$0x3FD0];
	(tm) =	ssettm $0x1  }
0x91: {  	s4 =	sld [smem:$0x3FFB];
	_ =	sdelay $0x3  }
0x92: {  	_ =	strace s4  }
0x93: {  	s4 =	sld [smem:$0x3FFC];
	_ =	sdelay $0x3  }
0x94: {  	_ =	strace s4  }
0x95: {  	s4 =	sld [smem:$0x3FFD];
	_ =	sdelay $0x3  }
0x96: {  	_ =	strace s4  }
0x97: {  	_ =	strace $0x8FFFFFFF  }
0x98: {  	s17 =	sld [smem:$0x3FDB];
	_ =	sdelay $0x1  }
0x99: {  	s5 =	simm.s32 $_scs_section_size  }
0x9a: {  	s6 =	simm.s32 $_size__tile_overlayer_lowered;
	s7 =	simm.s32 $_tile_overlayer_lowered  }
0x9b: {  	s20 =	simm.s32 $0x1BFF;
	s19 =	sshll.u32 s7, $0x1;
	s4 =	sadd.s32 s5, s17  }
0x9c: {  	s8 =	simm.s32 $0x0;
	s18 =	sshll.u32 s6, $0x1;
	s6 =	sadd.s32 s19, s4  }
0x9d: {  	[timem:s8], [sflag:s20] =	dma.local [hbm:s6], s18  }
0x9e: {  	_ =	swait.ge [sflag:s20], s18  }
0x9f: {  	s5 =	ssub.s32 $0x0, s18;
	[sflag:s20] =	ssyncset.done $0x0  }
0xa0: {  	[sflag:s20] =	ssyncadd.s32 s5;
	_ =	sdelay $0x1  }
0xa1: {  	s21 =	simm.s32 $0x1B8B  }
0xa2: {  	_ =	swait.ge [sflag:s21], $0x1  }
0xa3: {  	[sflag:s21] =	ssyncset.done $0x0  }
0xa4: {  	s23 =	simm.s32 $0x1B8E;
	s22 =	sld [smem:$0x3FFE];
	[sflag:s21] =	ssyncadd.s32 $0xFFFFFFFF  }
0xa5: {  	s24 =	simm.s32 $execute0_lowered;
	[smem:$0x3FD2] =	sst s23  }
0xa6: {  	s6 =	sshll.u32 s24, $0x1;
	_ =	strace $0x80000046;
	[dreg:$0x1] =	wrdreg $0xFFFFFFFF  }
0xa7: {  	s25 =	simm.s32 $_size_execute0_lowered;
	s4 =	sadd.s32 s4, s6;
	[dreg:$0x0] =	wrdreg $0x0  }
0xa8: {  	s6 =	sshll.u32 s25, $0x1;
	[dreg:$0x2] =	wrdreg s4  }
0xa9: {  	[dreg:$0x3] =	wrdreg s6  }
0xaa: {  	[dreg:$0x4] =	wrdreg $0xC0  }
0xab: {  	_ =	task [dreg:s8], $0x5FFFF  }
0xac: {  	[dreg:$0x1] =	wrdreg $0xFFFFFFFF  }
0xad: {  	[dreg:$0x0] =	wrdreg $0x60  }
0xae: {  	[dreg:$0x2] =	wrdreg s22  }
0xaf: {  	[dreg:$0x3] =	wrdreg s16  }
0xb0: {  	[dreg:$0x4] =	wrdreg s2  }
0xb1: {  	[dreg:$0x5] =	wrdreg s0  }
0xb2: {  	[dreg:$0x6] =	wrdreg s3  }
0xb3: {  	[dreg:$0x7] =	wrdreg $0x9  }
0xb4: {  	_ =	task.clear_ibuf [dreg:s8], $0x8FFFF;
	_ =	strace $0x90000046  }
0xb5: {  	s26 =	simm.s32 $0x9;
	_ =	strace $0x80000048  }
0xb6: {  	_ =	swait.ge [sflag:s26], $0x1  }
0xb7: {  	[sflag:s26] =	ssyncadd.s32 $0xFFFFFFFF  }
0xb8: {  	_ =	strace $0x90000048  }
0xb9: {  	_ =	sfence  }
0xba: {  	s28 =	sld [smem:$0x0];
	_ =	sdelay $0x1  }
0xbb: {  	s29 =	srdreg.scid  }
0xbc: {  	s30 =	sshll.u32 s29, $0xD;
	s31 =	sshrl.u32 s29, $0x2  }
0xbd: {  	s1 =	sand.u32 $0x1, s29;
	s2 =	sand.u32 $0x4000, s30;
	s0 =	sadd.s32 s31, s28  }
0xbe: {  	s1 =	sor.u32 s2, s1;
	s0 =	sshll.u32 s0, $0x11  }
0xbf: {  	s0 =	sor.u32 s0, s1  }
0xc0: {  	s0 =	sadd.s32 $0x8F2B, s0  }
0xc1: {  	[sflag:s0] =	ssyncadd.remote.s32 $0x1  }
0xc2: {  	_ =	sfence.sel $0xFFFF  }
0xc3: {  	[dreg:$0x0] =	wrdreg $0xFFFFFFFF;
	(pc) =	sbr.abs _section_cstart, $3  }
0xc4: {  	[dreg:$0x1] =	wrdreg $0xFFFFFFFF  }
0xc5: {  	_ =	task.clear_ibuf [dreg:s8], $0x2FFFF;
	_ =	strace $0x9FFFFFFF  }
0xc6: {  	(tm) =	ssettm $0x7FFFFFFF  }
0xc7: {  	_ =	shalt  }
tec
execute0_lowered:
.L_overlay_start_1:
0x0: {  	(tag) =	ssettag $0x1  }
0x1: {  	s2 =	rddreg [dreg:$0x0]  }
0x2: {  	s5 =	rddreg [dreg:$0x1]  }
0x3: {  	s4 =	rddreg [dreg:$0x2]  }
0x4: {  	s3 =	rddreg [dreg:$0x3]  }
0x5: {  	s1 =	rddreg [dreg:$0x4];
	s6 =	stileid.u32  }
0x6: {  	s0 =	rddreg [dreg:$0x5];
	_ =	strace $0x80000047;
	p0 =	sne.s32 s6, $0x0  }
0x7: {  	_ =	sfence.sel @p0 $0x180000  }
0x8: {  	[bflag:$0x0] =	sbarrier.arrive @p0 $0xFFFF  }
0x9: {  	_ =	strace @p0 $0x90000047  }
0xa: {  	[bflag:$0x2] =	sbarrier.arrive @p0 $0xFFFF  }
0xb: {  	_ =	shalt @p0  }
.LBB2_1:
0xc: {  	v0 =	vimm.s32 $0x0  }
0xd: {  	[tilespmem:$0x610] =	vst v0  }
0xe: {  	[tilespmem:$0x890] =	vst v0;
	v0 =	vimm.f32 $0.0e+00  }
0xf: {  	s6 =	sadd.s32 $0x600, s2;
	s2 =	simm.s32 $0x0;
	[tilespmem:$0xB10] =	vst v0  }
0x10: {  	[tilespmem:s2], [sflag:$0x1] =	stream.linear.gather [hbm4b:s6+s2], $0x400, $0x38;
	[tilespmem:$0xC00] =	vst v63  }
0x11: {  	s23 =	simm.s32 $0x400  }
0x12: {  	[tilespmem:s23], [sflag:$0x2] =	stream.linear.gather [hbm4b:s5+s2], $0x212, $0x38;
	[tilespmem:$0xC00] =	vst v63  }
0x13: {  	s24 =	simm.s32 $0x680  }
0x14: {  	[tilespmem:s24], [sflag:$0x3] =	stream.linear.gather [hbm4b:s4+s2], $0x212, $0x38;
	[tilespmem:$0xC00] =	vst v63  }
0x15: {  	s25 =	simm.s32 $0x900;
	s26 =	simm.s32 $0x1  }
0x16: {  	[tilespmem:s25], [sflag:$0x4] =	stream.linear.gather [hbm4b:s3+s2], $0x212, $0x38;
	[tilespmem:$0xC00] =	vst v63  }
0x17: {  	_ =	swait.ge [sflag:s26], $0x400  }
0x18: {  	[sflag:s26] =	ssyncset.done $0x0  }
0x19: {  	s28 =	simm.s32 $0x2;
	[sflag:s26] =	ssyncadd.s32 $0xFFFFFC00  }
0x1a: {  	_ =	swait.ge [sflag:s28], $0x212  }
0x1b: {  	[sflag:s28] =	ssyncset.done $0x0  }
0x1c: {  	s29 =	simm.s32 $0x3;
	[sflag:s28] =	ssyncadd.s32 $0xFFFFFDEE  }
0x1d: {  	_ =	swait.ge [sflag:s29], $0x212  }
0x1e: {  	[sflag:s29] =	ssyncset.done $0x0  }
0x1f: {  	s30 =	simm.s32 $0x4;
	[sflag:s29] =	ssyncadd.s32 $0xFFFFFDEE  }
0x20: {  	_ =	swait.ge [sflag:s30], $0x212  }
0x21: {  	[sflag:s30] =	ssyncset.done $0x0  }
0x22: {  	s31 =	simm.s32 $0x0;
	[sflag:s30] =	ssyncadd.s32 $0xFFFFFDEE  }
0x23: {  	v1 =	vld [tilespmem:s31+$0x400]  }
0x24: {  	v2 =	vld [tilespmem:s31+$0x680];
	_ =	sdelay $0x2  }
0x25: {  	s5 =	simm.s32 $0x10  }
0x26: {  	v4 =	vld [tilespmem:s5+$0x400];
	v3 =	vmul.u32 $0x21, v1  }
0x27: {  	v6 =	vld [tilespmem:s5+$0x680];
	v5 =	vmul.u32 $0x21, v2  }
0x28: {  	s3 =	simm.s32 $0x20;
	v1 =	vshll.u32 v1, $0x5  }
0x29: {  	v11 =	vld [tilespmem:s3+$0x400];
	v1 =	vadd.s32 v2, v1  }
0x2a: {  	v7 =	vld [tilespmem:s3+$0x680]  }
0x2b: {  	v8 =	vld [tilespmem:s31+$0x900];
	v2 =	vmul.u32 $0x21, v4  }
0x2c: {  	v10 =	vmul.u32 $0x21, v6;
	v3 =	vld.idx.msk [tilespmem:v3+s2+$0x0], $0xffff  }
0x2d: {  	v4 =	vshll.u32 v4, $0x5;
	v12 =	vld.idx.msk [tilespmem:v5+s2+$0x0], $0xffff  }
0x2e: {  	s4 =	simm.s32 $0x30;
	v14 =	vadd.s32 v6, v4;
	v13 =	vld.idx.msk [tilespmem:v1+s2+$0x0], $0xffff  }
0x2f: {  	v9 =	vld [tilespmem:s4+$0x400]  }
0x30: {  	v4 =	vld [tilespmem:s4+$0x680]  }
0x31: {  	v1 =	vld.idx.msk [tilespmem:v2+s2+$0x0], $0xffff  }
0x32: {  	v6 =	vmul.u32 $0x21, v7;
	v5 =	vmul.u32 $0x21, v11;
	v2 =	vld.idx.msk [tilespmem:v10+s2+$0x0], $0xffff  }
0x33: {  	s6 =	simm.s32 $0x100;
	v10 =	vadd.f32 v12, v3;
	v12 =	vshll.u32 v11, $0x5;
	v3 =	vld.idx.msk [tilespmem:v14+s2+$0x0], $0xffff;
	v11 =	vadd.f32 v13, v13  }
.LBB2_2:
0x34: {  	v14 =	vld [tilespmem:s5+$0x900];
	s5 =	smov.u32 s3  }
0x35: {  	v13 =	vadd.s32 v7, v12;
	v12 =	vmov v9;
	s3 =	smov.u32 s4;
	s4 =	sshra.s32 s6, $0x2;
	p0 =	sne.s32 s6, $0x840  }
.Ltmp0:
0x36: {  	v9 =	vld [tilespmem:s4+$0x400];
	v11 =	vsub.f32 v10, v11;
	v7 =	vmov v4;
	(pc) =	sbr.rel @p0 .LBB2_2-.Ltmp0, $4  }
0x37: {  	v4 =	vld [tilespmem:s4+$0x680]  }
0x38: {  	v10 =	vmov v1;
	v15 =	vmul.f32 v11, v8;
	v1 =	vld.idx.msk [tilespmem:v5+s2+$0x0], $0xffff;
	v5 =	vmul.u32 $0x21, v12  }
0x39: {  	v10 =	vadd.f32 v2, v10;
	v2 =	vld.idx.msk [tilespmem:v6+s2+$0x0], $0xffff;
	v6 =	vmul.u32 $0x21, v7  }
0x3a: {  	s6 =	sadd.s32 $0x40, s6;
	v12 =	vshll.u32 v12, $0x5;
	v11 =	vadd.f32 v3, v3;
	v3 =	vld.idx.msk [tilespmem:v13+s2+$0x0], $0xffff;
	v0 =	vadd.f32 v15, v0;
	v8 =	vmovc v14  }
0x3b: {  	_ = 	snop  }
0x3c: {  	v7 =	vadd.s32 v7, v12;
	v48 =	vmul.u32 $0x21, v9  }
0x3d: {  	v49 =	vshll.u32 v9, $0x5  }
0x3e: {  	v14 =	vld [tilespmem:s5+$0x900];
	v13 =	vmul.u32 $0x21, v4;
	v50 =	vadd.s32 v4, v49  }
0x3f: {  	v5 =	vld.idx.msk [tilespmem:v5+s2+$0x0], $0xffff  }
0x40: {  	v6 =	vld.idx.msk [tilespmem:v6+s2+$0x0], $0xffff  }
0x41: {  	v7 =	vld.idx.msk [tilespmem:v7+s2+$0x0], $0xffff  }
0x42: {  	v51 =	vld.idx.msk [tilespmem:v48+s2+$0x0], $0xffff  }
0x43: {  	v4 =	vld.idx.msk [tilespmem:v50+s2+$0x0], $0xffff  }
0x44: {  	v10 =	vsub.f32 v10, v11;
	v52 =	vld.idx.msk [tilespmem:v13+s2+$0x0], $0xffff  }
0x45: {  	v1 =	vadd.f32 v2, v1;
	v53 =	vadd.f32 v3, v3  }
0x46: {  	v55 =	vld [tilespmem:s3+$0x900];
	v54 =	vmul.f32 v10, v8;
	v5 =	vadd.f32 v6, v5  }
0x47: {  	v1 =	vsub.f32 v1, v53;
	v56 =	vadd.f32 v7, v7  }
0x48: {  	v57 =	vld [tilespmem:s4+$0x900];
	v0 =	vadd.f32 v54, v0;
	v4 =	vadd.f32 v4, v4  }
0x49: {  	v1 =	vmul.f32 v1, v14;
	v58 =	vsub.f32 v5, v56;
	v59 =	vadd.f32 v52, v51;
	_ =	sdelay $0x1  }
0x4a: {  	v0 =	vadd.f32 v1, v0;
	v60 =	vmul.f32 v58, v55;
	v61 =	vsub.f32 v59, v4;
	_ =	sdelay $0x1  }
0x4b: {  	v0 =	vadd.f32 v60, v0;
	v62 =	vmul.f32 v61, v57;
	_ =	sdelay $0x1  }
0x4c: {  	v0 =	vadd.f32 v62, v0;
	_ =	sdelay $0x1  }
0x4d: {  	(xrf2) =	vadd.scan.msk.f32 $0xffff, v0;
	_ =	sdelay $0x9  }
0x4e: {  	v0, _, _ =	vpop (xrf2)  }
0x4f: {  	(v2sf) =	vpush v0, $0xF;
	_ =	sdelay $0xe  }
0x50: {  	s28 =	spop (v2sf)  }
0x51: {  	s2 =	smul.f32 $1.151606720e-08, s28;
	_ =	sdelay $0x1  }
0x52: {  	v63 =	vmov s2  }
0x53: {  	s29 =	simm.s32 $0x0;
	s30 =	simm.s32 $0xB80;
	s31 =	simm.s32 $0x5;
	[tilespmem:$0xB80] =	vst v63  }
0x54: {  	[hbm4b:s1+s29] =	stream.linear.scatter [tilespmem:s30], [sflag:$0x5], $0x80, $0x38;
	[tilespmem:$0xC00] =	vst v63  }
0x55: {  	_ =	swait.ge [sflag:s31], $0x80  }
0x56: {  	[sflag:s31] =	ssyncset.done $0x0  }
0x57: {  	[sflag:s31] =	ssyncadd.s32 $0xFFFFFF80  }
0x58: {  	_ =	sfence.sel $0x180000  }
0x59: {  	[bflag:$0x0] =	sbarrier.arrive $0xFFFF  }
0x5a: {  	_ =	strace $0x90000047  }
0x5b: {  	s0 =	sadd.s32 $0x100000, s0;
	[bflag:$0x2] =	sbarrier.arrive $0xFFFF  }
0x5c: {  	[sflag:s0] =	ssyncadd.tile.s32 $0x1;
	_ =	shalt  }
.Lfunc_end2:
_tile_overlayer_lowered:
.L_overlay_start_2:
0x5d: {  	(tag) =	ssettag $0x2  }
0x5e: {  	s0 =	rddreg [dreg:$0x0];
	s2 =	stileid.u32  }
0x5f: {  	s1 =	rddreg [dreg:$0x1];
	p0 =	sne.s32 s2, $0x0  }
0x60: {  	s3 =	rddreg [dreg:$0x2];
	[bflag:$0x3] =	sbarrier.arrive $0xFFFF;
	s2 =	simm.s32 @!p0 $0x1C05  }
0x61: {  	[timem:s3], [sflag:s2] =	dma.local @!p0 [hbm:s0], s1  }
0x62: {  	s0 =	simm.s32 @!p0 $0x5  }
0x63: {  	_ =	swait.ge @!p0 [sflag:s0], s1  }
0x64: {  	s1 =	ssub.s32 @!p0 $0x0, s1;
	[sflag:s0] =	ssyncset.done @!p0 $0x0  }
0x65: {  	[sflag:s0] =	ssyncadd.s32 @!p0 s1  }
0x66: {  	[bflag:$0x3] =	sbarrier.arrive $0xFFFF  }
0x67: {  	_ =	shalt  }

</sc_bundles>
